<compile_context>
chip_gen: v7x
topology: tpu7x:2x2x1
jax: 0.10.2.dev20260603
libtpu: 0.0.44.dev20260713+nightly
codegen_flags: <defaults>
</compile_context>

<pallas_src>
import functools

import jax
import jax.numpy as jnp
from jax import lax
from jax.experimental import pallas as pl
from jax.experimental.pallas import tpu as pltpu
from jax.experimental.pallas import tpu_sc as plsc

_N = 10000
_A = 32
_E = 128
_P625 = 625
_TILE = 1000
_GRID = _N // _TILE
_HTAB = _P625 + _TILE


def _sc_gather_body(anchor_hbm, emb_hbm, a32_hbm, idx_v, rows_v, sem):
    c = lax.axis_index("c")
    s = lax.axis_index("s")
    wid = s * 2 + c

    @pl.when(wid == 0)
    def _():
        pltpu.sync_copy(anchor_hbm, idx_v)
        pltpu.async_copy(emb_hbm.at[idx_v], rows_v, sem).wait()
        pltpu.sync_copy(rows_v, a32_hbm)


def _sc_gather(anchor_set_id, embeds):
    sc_kernel = functools.partial(
        pl.kernel,
        mesh=plsc.VectorSubcoreMesh(core_axis_name="c", subcore_axis_name="s"),
        out_type=jax.ShapeDtypeStruct((_A, _E), jnp.float32),
        scratch_types=[
            pltpu.VMEM((_A,), jnp.int32),
            pltpu.VMEM((_A, _E), jnp.float32),
            pltpu.SemaphoreType.DMA,
        ],
    )(_sc_gather_body)
    return sc_kernel(anchor_set_id, embeds)


def _tc_body(a32_ref, dt_ref, e_ref, w_ref, b_ref, out_ref,
             p_scr, h_scr):
    t = pl.program_id(0)

    @pl.when(t == 0)
    def _init():
        W1 = w_ref[:, :_E]
        W2 = w_ref[:, _E:]
        B2 = e_ref[...].reshape(_P625, 16, _E).sum(axis=1)
        r_io = lax.broadcasted_iota(jnp.int32, (_HTAB, _P625), 0)
        j_io = lax.broadcasted_iota(jnp.int32, (_HTAB, _P625), 1)
        perm = (jnp.equal((2 * r_io) % _P625, j_io)
                | jnp.equal((2 * r_io + 1) % _P625, j_io)).astype(jnp.float32)
        S2 = jnp.dot(perm, B2, preferred_element_type=jnp.float32)
        h_scr[...] = lax.dot_general(
            S2, W2, (((1,), (1,)), ((), ())),
            preferred_element_type=jnp.float32) * (1.0 / _A) + b_ref[...]
        p_scr[...] = lax.dot_general(
            a32_ref[...], W1, (((1,), (1,)), ((), ())),
            preferred_element_type=jnp.float32) * (1.0 / _A)

    s_t = (t * _TILE) % _P625
    out_ref[...] = (jnp.dot(dt_ref[...], p_scr[...],
                            preferred_element_type=jnp.float32)
                    + h_scr[pl.ds(s_t, _TILE), :])


def kernel(anchor_set_id, dists_array, embeds, W, b):
    a32 = _sc_gather(anchor_set_id, embeds)
    dt = dists_array.T
    b2d = b.reshape(1, _E)
    return pl.pallas_call(
        _tc_body,
        grid=(_GRID,),
        in_specs=[
            pl.BlockSpec((_A, _E), lambda t: (0, 0)),
            pl.BlockSpec((_TILE, _A), lambda t: (t, 0)),
            pl.BlockSpec((_N, _E), lambda t: (0, 0)),
            pl.BlockSpec((_E, 2 * _E), lambda t: (0, 0)),
            pl.BlockSpec((1, _E), lambda t: (0, 0)),
        ],
        out_specs=pl.BlockSpec((_TILE, _E), lambda t: (t, 0)),
        out_shape=jax.ShapeDtypeStruct((_N, _E), jnp.float32),
        scratch_shapes=[
            pltpu.VMEM((_A, _E), jnp.float32),
            pltpu.VMEM((_HTAB, _E), jnp.float32),
        ],
    )(a32, dt, embeds, W, b2d)

# --- scband reference (transcript-rebuilt; emitter-appended) ---
"""Pipeline reference for scband-pnnlayer-29180007809571 (READ-ONLY COPY).

The authoritative reference and input builder live on the scoring server;
editing this copy changes nothing except your own understanding.
"""

import jax, jax.numpy as jnp
import numpy as np

DIM_E = 128
ANCHOR_SET_NUM = 32
N_NODES = 10000


def setup_inputs(seed: int = 0) -> dict:
    key = jax.random.key(seed)
    k1, k2, k3, k4, k5 = jax.random.split(key, 5)
    anchor_set_id = jax.random.randint(k1, (ANCHOR_SET_NUM,), 0, N_NODES, dtype=jnp.int64 if jax.config.jax_enable_x64 else jnp.int32).astype(jnp.int32)
    dists_array = jax.random.uniform(k2, (ANCHOR_SET_NUM, N_NODES), dtype=jnp.float32)
    embeds = jax.random.normal(k3, (N_NODES, DIM_E), dtype=jnp.float32)
    # Learned params for nn.Linear(2*dim_E, dim_E)
    bound = 1.0 / np.sqrt(2 * DIM_E)
    W = jax.random.uniform(k4, (DIM_E, 2 * DIM_E), dtype=jnp.float32, minval=-bound, maxval=bound)
    b = jax.random.uniform(k5, (DIM_E,), dtype=jnp.float32, minval=-bound, maxval=bound)
    return {"anchor_set_id": anchor_set_id, "dists_array": dists_array, "embeds": embeds, "W": W, "b": b}


def reference(anchor_set_id, dists_array, embeds, W, b):
    A = anchor_set_id.shape[0]
    N = dists_array.shape[1]
    dim_E = embeds.shape[1]
    # set_ids_emb = embeds[anchor_set_id]
    set_ids_emb = jnp.take(embeds, anchor_set_id, axis=0)  # [A, dim_E]
    # set_ids_emb.repeat(N, 1).reshape(-1, A, dim_E)
    set_ids_reshape = jnp.tile(set_ids_emb, (N, 1)).reshape(-1, A, dim_E)  # [N, A, dim_E]
    # dists_array.T.unsqueeze(2)
    dists_array_emb = dists_array.T[:, :, None]  # [N, A, 1]
    messages = set_ids_reshape * dists_array_emb  # [N, A, dim_E]
    # embeds.repeat(A, 1).reshape(-1, A, dim_E)  (faithful to torch, including the tiling order)
    self_feature = jnp.tile(embeds, (A, 1)).reshape(-1, A, dim_E)  # [N, A, dim_E]
    messages = jnp.concatenate((messages, self_feature), axis=-1)  # [N, A, 2*dim_E]
    messages = messages @ W.T + b  # [N, A, dim_E]
    messages = jnp.squeeze(messages)
    outposition1 = jnp.mean(messages, axis=1)  # [N, dim_E]
    return outposition1

if __name__ == "__main__":
    import jax
    _d = setup_inputs()
    print(jax.jit(kernel)(*tuple(_d.values())))

</pallas_src>

<mosaic_0001>
#map = affine_map<(d0, d1) -> (0)>
#map1 = affine_map<(d0, d1) -> (0, 0)>
module attributes {stable_mosaic.version = 14 : i64} {
  func.func @_sc_gather_body(%arg0: i32, %arg1: i32, %arg2: memref<32xi32, #tpu.memory_space<hbm>>, %arg3: memref<10000x128xf32, #tpu.memory_space<hbm>>, %arg4: memref<32x128xf32, #tpu.memory_space<hbm>>, %arg5: memref<32xi32, #tpu.memory_space<vmem>>, %arg6: memref<32x128xf32, #tpu.memory_space<vmem>>, %arg7: memref<!tpu.dma_semaphore, #tpu.memory_space<semaphore_mem>>) attributes {dimension_semantics = [#tpu.dimension_semantics<core_parallel>, #tpu.dimension_semantics<subcore_parallel>], iteration_bounds = array<i64: 2, 16>, scalar_prefetch = 0 : i64, scratch_operands = 3 : i64, tpu.core_type = #tpu.core_type<sc_vector_subcore>, window_params = [{transform_indices = #map}, {transform_indices = #map1}, {transform_indices = #map1}]} {
    %mul3A = arith.constant 2 : i32
    %mul3A_0 = arith.muli %arg1, %mul3A : i32
    %add3A = arith.addi %mul3A_0, %arg0 : i32
    %eq3A = arith.constant 0 : i32
    %eq3A_1 = arith.cmpi eq, %add3A, %eq3A : i32
    %convert_element_type3A = arith.extui %eq3A_1 : i1 to i32
    %cond3A = arith.constant 0 : i32
    %cond3A_2 = arith.cmpi ne, %convert_element_type3A, %cond3A : i32
    scf.if %cond3A_2 {
      "tpu.region"() ({
        %run_scoped3A = tpu.sem_alloc : memref<!tpu.dma_semaphore, #tpu.memory_space<semaphore_mem>>
        tpu.enqueue_dma source(%arg2 : memref<32xi32, #tpu.memory_space<hbm>>) target(%arg5 : memref<32xi32, #tpu.memory_space<vmem>>) target_semaphore(%run_scoped3A : memref<!tpu.dma_semaphore, #tpu.memory_space<semaphore_mem>>)
        tpu.wait_dma2 semaphore(%run_scoped3A : memref<!tpu.dma_semaphore, #tpu.memory_space<semaphore_mem>>) src(%arg2 : memref<32xi32, #tpu.memory_space<hbm>>) dst(%arg5 : memref<32xi32, #tpu.memory_space<vmem>>)
        tpu.yield
      }) : () -> ()
      %dma_start3A = arith.constant 0 : i32
      %dma_start3A_3 = arith.constant 0 : i32
      %dma_start3A_4 = tpu.memref_slice %arg3[%dma_start3A, %dma_start3A_3] : memref<10000x128xf32, #tpu.memory_space<hbm>> -> memref<10000x128xf32, #tpu.memory_space<hbm>>
      tpu.enqueue_indirect_dma source(%dma_start3A_4 : memref<10000x128xf32, #tpu.memory_space<hbm>>) target(%arg6 : memref<32x128xf32, #tpu.memory_space<vmem>>) offsets(%arg5 : memref<32xi32, #tpu.memory_space<vmem>>) semaphore(%arg7 : memref<!tpu.dma_semaphore, #tpu.memory_space<semaphore_mem>>)
      %dma_wait3A = arith.constant 0 : i32
      %dma_wait3A_5 = arith.constant 0 : i32
      %dma_wait3A_6 = tpu.memref_slice %arg3[%dma_wait3A, %dma_wait3A_5] : memref<10000x128xf32, #tpu.memory_space<hbm>> -> memref<10000x128xf32, #tpu.memory_space<hbm>>
      tpu.wait_indirect_dma semaphore(%arg7 : memref<!tpu.dma_semaphore, #tpu.memory_space<semaphore_mem>>) src(%dma_wait3A_6 : memref<10000x128xf32, #tpu.memory_space<hbm>>) dst(%arg6 : memref<32x128xf32, #tpu.memory_space<vmem>>)
      "tpu.region"() ({
        %run_scoped3A = tpu.sem_alloc : memref<!tpu.dma_semaphore, #tpu.memory_space<semaphore_mem>>
        tpu.enqueue_dma source(%arg6 : memref<32x128xf32, #tpu.memory_space<vmem>>) target(%arg4 : memref<32x128xf32, #tpu.memory_space<hbm>>) target_semaphore(%run_scoped3A : memref<!tpu.dma_semaphore, #tpu.memory_space<semaphore_mem>>)
        tpu.wait_dma2 semaphore(%run_scoped3A : memref<!tpu.dma_semaphore, #tpu.memory_space<semaphore_mem>>) src(%arg6 : memref<32x128xf32, #tpu.memory_space<vmem>>) dst(%arg4 : memref<32x128xf32, #tpu.memory_space<hbm>>)
        tpu.yield
      }) : () -> ()
    } else {
    }
    return
  }
}

module attributes {stable_mosaic.version = 14 : i64} {
  func.func @_tc_body(%arg0: i32, %arg1: memref<32x128xf32, #tpu.memory_space<vmem>>, %arg2: memref<1000x32xf32, #tpu.memory_space<vmem>>, %arg3: memref<10000x128xf32, #tpu.memory_space<vmem>>, %arg4: memref<128x256xf32, #tpu.memory_space<vmem>>, %arg5: memref<1x128xf32, #tpu.memory_space<vmem>>, %arg6: memref<1000x128xf32, #tpu.memory_space<vmem>>, %arg7: memref<32x128xf32, #tpu.memory_space<vmem>>, %arg8: memref<1625x128xf32, #tpu.memory_space<vmem>>) attributes {dimension_semantics = [#tpu.dimension_semantics<arbitrary>], iteration_bounds = array<i64: 10>, scalar_prefetch = 0 : i64, scratch_operands = 2 : i64, tpu.core_type = #tpu.core_type<tc>, window_params = [{pipeline_mode = #tpu.pipeline_mode<synchronous>, transform_indices = @transform_0, window_bounds = array<i64: 32, 128>}, {transform_indices = @transform_1, window_bounds = array<i64: 1000, 32>}, {pipeline_mode = #tpu.pipeline_mode<synchronous>, transform_indices = @transform_2, window_bounds = array<i64: 10000, 128>}, {pipeline_mode = #tpu.pipeline_mode<synchronous>, transform_indices = @transform_3, window_bounds = array<i64: 128, 256>}, {pipeline_mode = #tpu.pipeline_mode<synchronous>, transform_indices = @transform_4, window_bounds = array<i64: 1, 128>}, {transform_indices = @transform_5, window_bounds = array<i64: 1000, 128>}]} {
    %eq3A = arith.constant 0 : i32
    %eq3A_0 = arith.cmpi eq, %arg0, %eq3A : i32
    %convert_element_type3A = arith.extui %eq3A_0 : i1 to i32
    %cond3A = arith.constant 0 : i32
    %cond3A_1 = arith.cmpi ne, %convert_element_type3A, %cond3A : i32
    scf.if %cond3A_1 {
      %get3A_24 = arith.constant 0 : index
      %get3A_25 = arith.constant 0 : index
      %get3A_26 = vector.load %arg4[%get3A_24, %get3A_25] : memref<128x256xf32, #tpu.memory_space<vmem>>, vector<128x128xf32>
      %get3A_27 = arith.constant 0 : index
      %get3A_28 = arith.constant 128 : index
      %get3A_29 = vector.load %arg4[%get3A_27, %get3A_28] : memref<128x256xf32, #tpu.memory_space<vmem>>, vector<128x128xf32>
      %get3A_30 = arith.constant 0 : index
      %get3A_31 = arith.constant 0 : index
      %get3A_32 = vector.load %arg3[%get3A_30, %get3A_31] : memref<10000x128xf32, #tpu.memory_space<vmem>>, vector<10000x128xf32>
      %reshape3A = vector.shape_cast %get3A_32 : vector<10000x128xf32> to vector<625x16x128xf32>
      %reduce_sum3A = arith.constant dense<0.000000e+00> : vector<625x128xf32>
      %reduce_sum3A_33 = vector.multi_reduction <add>, %reshape3A, %reduce_sum3A [1] : vector<625x16x128xf32> to vector<625x128xf32>
      %iota3A = tpu.iota {dimensions = array<i32: 0>} : vector<1625x625xi32>
      %iota3A_34 = tpu.iota {dimensions = array<i32: 1>} : vector<1625x625xi32>
      %mul3A_35 = arith.constant 2 : i32
      %mul3A_36 = vector.broadcast %mul3A_35 : i32 to vector<1625x625xi32>
      %mul3A_37 = arith.muli %mul3A_36, %iota3A : vector<1625x625xi32>
      %jit3A_38 = arith.constant 625 : i32
      %eq3A_39 = arith.constant 0 : i32
      %eq3A_40 = arith.cmpi eq, %jit3A_38, %eq3A_39 : i32
      %jit3A_41 = arith.constant 1 : i32
      %select_n3A_42 = arith.select %eq3A_40, %jit3A_41, %jit3A_38 : i32
      %rem3A_43 = vector.broadcast %select_n3A_42 : i32 to vector<1625x625xi32>
      %rem3A_44 = arith.remsi %mul3A_37, %rem3A_43 : vector<1625x625xi32>
      %ne3A_45 = arith.constant 0 : i32
      %ne3A_46 = vector.broadcast %ne3A_45 : i32 to vector<1625x625xi32>
      %ne3A_47 = arith.cmpi ne, %rem3A_44, %ne3A_46 : vector<1625x625xi32>
      %lt3A_48 = arith.constant 0 : i32
      %lt3A_49 = vector.broadcast %lt3A_48 : i32 to vector<1625x625xi32>
      %lt3A_50 = arith.cmpi slt, %rem3A_44, %lt3A_49 : vector<1625x625xi32>
      %lt3A_51 = arith.constant 0 : i32
      %lt3A_52 = arith.cmpi slt, %select_n3A_42, %lt3A_51 : i32
      %ne3A_53 = vector.broadcast %lt3A_52 : i1 to vector<1625x625xi1>
      %ne3A_54 = vector.broadcast %ne3A_53 : vector<1625x625xi1> to vector<1625x625xi1>
      %ne3A_55 = arith.xori %lt3A_50, %ne3A_54 : vector<1625x625xi1>
      %and3A_56 = arith.andi %ne3A_55, %ne3A_47 : vector<1625x625xi1>
      %add3A_57 = vector.broadcast %select_n3A_42 : i32 to vector<1625x625xi32>
      %add3A_58 = arith.addi %rem3A_44, %add3A_57 : vector<1625x625xi32>
      %select_n3A_59 = arith.select %and3A_56, %add3A_58, %rem3A_44 : vector<1625x625xi1>, vector<1625x625xi32>
      %eq3A_60 = arith.cmpi eq, %select_n3A_59, %iota3A_34 : vector<1625x625xi32>
      %mul3A_61 = arith.constant 2 : i32
      %mul3A_62 = vector.broadcast %mul3A_61 : i32 to vector<1625x625xi32>
      %mul3A_63 = arith.muli %mul3A_62, %iota3A : vector<1625x625xi32>
      %add3A_64 = arith.constant 1 : i32
      %add3A_65 = vector.broadcast %add3A_64 : i32 to vector<1625x625xi32>
      %add3A_66 = arith.addi %mul3A_63, %add3A_65 : vector<1625x625xi32>
      %jit3A_67 = arith.constant 625 : i32
      %eq3A_68 = arith.constant 0 : i32
      %eq3A_69 = arith.cmpi eq, %jit3A_67, %eq3A_68 : i32
      %jit3A_70 = arith.constant 1 : i32
      %select_n3A_71 = arith.select %eq3A_69, %jit3A_70, %jit3A_67 : i32
      %rem3A_72 = vector.broadcast %select_n3A_71 : i32 to vector<1625x625xi32>
      %rem3A_73 = arith.remsi %add3A_66, %rem3A_72 : vector<1625x625xi32>
      %ne3A_74 = arith.constant 0 : i32
      %ne3A_75 = vector.broadcast %ne3A_74 : i32 to vector<1625x625xi32>
      %ne3A_76 = arith.cmpi ne, %rem3A_73, %ne3A_75 : vector<1625x625xi32>
      %lt3A_77 = arith.constant 0 : i32
      %lt3A_78 = vector.broadcast %lt3A_77 : i32 to vector<1625x625xi32>
      %lt3A_79 = arith.cmpi slt, %rem3A_73, %lt3A_78 : vector<1625x625xi32>
      %lt3A_80 = arith.constant 0 : i32
      %lt3A_81 = arith.cmpi slt, %select_n3A_71, %lt3A_80 : i32
      %ne3A_82 = vector.broadcast %lt3A_81 : i1 to vector<1625x625xi1>
      %ne3A_83 = vector.broadcast %ne3A_82 : vector<1625x625xi1> to vector<1625x625xi1>
      %ne3A_84 = arith.xori %lt3A_79, %ne3A_83 : vector<1625x625xi1>
      %and3A_85 = arith.andi %ne3A_84, %ne3A_76 : vector<1625x625xi1>
      %add3A_86 = vector.broadcast %select_n3A_71 : i32 to vector<1625x625xi32>
      %add3A_87 = arith.addi %rem3A_73, %add3A_86 : vector<1625x625xi32>
      %select_n3A_88 = arith.select %and3A_85, %add3A_87, %rem3A_73 : vector<1625x625xi1>, vector<1625x625xi32>
      %eq3A_89 = arith.cmpi eq, %select_n3A_88, %iota3A_34 : vector<1625x625xi32>
      %or3A = arith.ori %eq3A_60, %eq3A_89 : vector<1625x625xi1>
      %convert_element_type3A_90 = arith.extui %or3A : vector<1625x625xi1> to vector<1625x625xi32>
      %convert_element_type3A_91 = arith.sitofp %convert_element_type3A_90 : vector<1625x625xi32> to vector<1625x625xf32>
      %dot_general3A_92 = arith.constant dense<0.000000e+00> : vector<1625x128xf32>
      %dot_general3A_93 = tpu.matmul %convert_element_type3A_91, %reduce_sum3A_33, %dot_general3A_92 {dimension_numbers = #tpu.dot_dimension_numbers<[1], [0], [0], [1], [0, 0, 1, 1], [], []>, transpose_lhs_hint = false} : vector<1625x625xf32>, vector<625x128xf32>, vector<1625x128xf32> -> vector<1625x128xf32>
      %dot_general3A_94 = arith.constant dense<0.000000e+00> : vector<1625x128xf32>
      %dot_general3A_95 = tpu.matmul %dot_general3A_93, %get3A_29, %dot_general3A_94 {dimension_numbers = #tpu.dot_dimension_numbers<[1], [1], [0], [0], [0, 0, 1, 0], [], []>, transpose_lhs_hint = false} : vector<1625x128xf32>, vector<128x128xf32>, vector<1625x128xf32> -> vector<1625x128xf32>
      %mul3A_96 = arith.constant 3.125000e-02 : f32
      %mul3A_97 = vector.broadcast %mul3A_96 : f32 to vector<1625x128xf32>
      %mul3A_98 = arith.mulf %dot_general3A_95, %mul3A_97 : vector<1625x128xf32>
      %get3A_99 = arith.constant 0 : index
      %get3A_100 = arith.constant 0 : index
      %get3A_101 = vector.load %arg5[%get3A_99, %get3A_100] : memref<1x128xf32, #tpu.memory_space<vmem>>, vector<1x128xf32>
      %add3A_102 = vector.broadcast %get3A_101 : vector<1x128xf32> to vector<1625x128xf32>
      %add3A_103 = arith.addf %mul3A_98, %add3A_102 : vector<1625x128xf32>
      %swap3A_104 = arith.constant 0 : index
      %swap3A_105 = arith.constant 0 : index
      %swap3A_106 = vector.load %arg8[%swap3A_104, %swap3A_105] : memref<1625x128xf32, #tpu.memory_space<vmem>>, vector<1625x128xf32>
      tpu.vector_store %arg8[%swap3A_104, %swap3A_105], %add3A_103 {strides = array<i32>} : memref<1625x128xf32, #tpu.memory_space<vmem>>, vector<1625x128xf32>,
      %get3A_107 = arith.constant 0 : index
      %get3A_108 = arith.constant 0 : index
      %get3A_109 = vector.load %arg1[%get3A_107, %get3A_108] : memref<32x128xf32, #tpu.memory_space<vmem>>, vector<32x128xf32>
      %dot_general3A_110 = arith.constant dense<0.000000e+00> : vector<32x128xf32>
      %dot_general3A_111 = tpu.matmul %get3A_109, %get3A_26, %dot_general3A_110 {dimension_numbers = #tpu.dot_dimension_numbers<[1], [1], [0], [0], [0, 0, 1, 0], [], []>, transpose_lhs_hint = false} : vector<32x128xf32>, vector<128x128xf32>, vector<32x128xf32> -> vector<32x128xf32>
      %mul3A_112 = arith.constant 3.125000e-02 : f32
      %mul3A_113 = vector.broadcast %mul3A_112 : f32 to vector<32x128xf32>
      %mul3A_114 = arith.mulf %dot_general3A_111, %mul3A_113 : vector<32x128xf32>
      %swap3A_115 = arith.constant 0 : index
      %swap3A_116 = arith.constant 0 : index
      %swap3A_117 = vector.load %arg7[%swap3A_115, %swap3A_116] : memref<32x128xf32, #tpu.memory_space<vmem>>, vector<32x128xf32>
      tpu.vector_store %arg7[%swap3A_115, %swap3A_116], %mul3A_114 {strides = array<i32>} : memref<32x128xf32, #tpu.memory_space<vmem>>, vector<32x128xf32>,
    } else {
    }
    %mul3A = arith.constant 1000 : i32
    %mul3A_2 = arith.muli %arg0, %mul3A : i32
    %jit3A = arith.constant 625 : i32
    %eq3A_3 = arith.constant 0 : i32
    %eq3A_4 = arith.cmpi eq, %jit3A, %eq3A_3 : i32
    %jit3A_5 = arith.constant 1 : i32
    %select_n3A = arith.select %eq3A_4, %jit3A_5, %jit3A : i32
    %rem3A = arith.remsi %mul3A_2, %select_n3A : i32
    %ne3A = arith.constant 0 : i32
    %ne3A_6 = arith.cmpi ne, %rem3A, %ne3A : i32
    %lt3A = arith.constant 0 : i32
    %lt3A_7 = arith.cmpi slt, %rem3A, %lt3A : i32
    %lt3A_8 = arith.constant 0 : i32
    %lt3A_9 = arith.cmpi slt, %select_n3A, %lt3A_8 : i32
    %ne3A_10 = arith.xori %lt3A_7, %lt3A_9 : i1
    %and3A = arith.andi %ne3A_10, %ne3A_6 : i1
    %add3A = arith.addi %rem3A, %select_n3A : i32
    %select_n3A_11 = arith.select %and3A, %add3A, %rem3A : i32
    %get3A = arith.constant 0 : index
    %get3A_12 = arith.constant 0 : index
    %get3A_13 = vector.load %arg2[%get3A, %get3A_12] : memref<1000x32xf32, #tpu.memory_space<vmem>>, vector<1000x32xf32>
    %get3A_14 = arith.constant 0 : index
    %get3A_15 = arith.constant 0 : index
    %get3A_16 = vector.load %arg7[%get3A_14, %get3A_15] : memref<32x128xf32, #tpu.memory_space<vmem>>, vector<32x128xf32>
    %dot_general3A = arith.constant dense<0.000000e+00> : vector<1000x128xf32>
    %dot_general3A_17 = tpu.matmul %get3A_13, %get3A_16, %dot_general3A {dimension_numbers = #tpu.dot_dimension_numbers<[1], [0], [0], [1], [0, 0, 1, 1], [], []>, transpose_lhs_hint = false} : vector<1000x32xf32>, vector<32x128xf32>, vector<1000x128xf32> -> vector<1000x128xf32>
    %get3A_18 = arith.index_cast %select_n3A_11 : i32 to index
    %get3A_19 = arith.constant 0 : index
    %get3A_20 = vector.load %arg8[%get3A_18, %get3A_19] : memref<1625x128xf32, #tpu.memory_space<vmem>>, vector<1000x128xf32>
    %add3A_21 = arith.addf %dot_general3A_17, %get3A_20 : vector<1000x128xf32>
    %swap3A = arith.constant 0 : index
    %swap3A_22 = arith.constant 0 : index
    %swap3A_23 = vector.load %arg6[%swap3A, %swap3A_22] : memref<1000x128xf32, #tpu.memory_space<vmem>>, vector<1000x128xf32>
    tpu.vector_store %arg6[%swap3A, %swap3A_22], %add3A_21 {strides = array<i32>} : memref<1000x128xf32, #tpu.memory_space<vmem>>, vector<1000x128xf32>,
    return
  }
  func.func @transform_0(%arg0: i32) -> (i32, i32) {
    %c0_i32 = arith.constant 0 : i32
    %c0_i32_0 = arith.constant 0 : i32
    %c0_i32_1 = arith.constant 0 : i32
    return %c0_i32, %c0_i32_0 : i32, i32
  }
  func.func @transform_1(%arg0: i32) -> (i32, i32) {
    %c0_i32 = arith.constant 0 : i32
    %c0_i32_0 = arith.constant 0 : i32
    return %arg0, %c0_i32 : i32, i32
  }
  func.func @transform_2(%arg0: i32) -> (i32, i32) {
    %c0_i32 = arith.constant 0 : i32
    %c0_i32_0 = arith.constant 0 : i32
    %c0_i32_1 = arith.constant 0 : i32
    return %c0_i32, %c0_i32_0 : i32, i32
  }
  func.func @transform_3(%arg0: i32) -> (i32, i32) {
    %c0_i32 = arith.constant 0 : i32
    %c0_i32_0 = arith.constant 0 : i32
    %c0_i32_1 = arith.constant 0 : i32
    return %c0_i32, %c0_i32_0 : i32, i32
  }
  func.func @transform_4(%arg0: i32) -> (i32, i32) {
    %c0_i32 = arith.constant 0 : i32
    %c0_i32_0 = arith.constant 0 : i32
    %c0_i32_1 = arith.constant 0 : i32
    return %c0_i32, %c0_i32_0 : i32, i32
  }
  func.func @transform_5(%arg0: i32) -> (i32, i32) {
    %c0_i32 = arith.constant 0 : i32
    %c0_i32_0 = arith.constant 0 : i32
    return %arg0, %c0_i32 : i32, i32
  }
}

</mosaic_0001>

<sc_bundles>
// kernel: kernel.4.cloned.1.call-start
scs
__scs_entry_jumppad:
0x0: {  	(pc) =	sbr.rel $0x88, $3  }
0x1: {  	(tag) =	ssettag $0x0;
	lr =	simm.s32 $0x1  }
0x2: {  	[smem:$0x3F9C] =	sst lr;
	_ =	strace $0xD0000000  }
0x3: {  	_ = 	snop  }
0x4: {  	_ = 	snop  }
0x5: {  	_ = 	snop  }
0x6: {  	_ = 	snop  }
0x7: {  	_ = 	snop  }
__scs_overlays_trampoline_lowered:
0x8: {  	[smem:$0x3FAB] =	sst s0  }
0x9: {  	[smem:$0x3FAC] =	sst s1  }
0xa: {  	[smem:$0x3FAD] =	sst s2  }
0xb: {  	[smem:$0x3FAE] =	sst s3  }
0xc: {  	[smem:$0x3FAF] =	sst s4  }
0xd: {  	[smem:$0x3FB0] =	sst s5  }
0xe: {  	[smem:$0x3FB1] =	sst s6  }
0xf: {  	[smem:$0x3FB2] =	sst s7  }
0x10: {  	[smem:$0x3FB3] =	sst s8  }
0x11: {  	[smem:$0x3FB4] =	sst s9;
	s0 =	simm.s32 @!p0 $0x0  }
0x12: {  	s1 =	sld [smem:$0x3F9A];
	s0 =	simm.s32 @p0 $0x1  }
0x13: {  	[smem:$0x3FB5] =	sst s0;
	s0 =	simm.s32 @!p1 $0x0  }
0x14: {  	s2 =	sld [smem:$0x3F99];
	s0 =	simm.s32 @p1 $0x1  }
0x15: {  	[smem:$0x3FB6] =	sst s0;
	s0 =	simm.s32 @!p2 $0x0  }
0x16: {  	s3 =	sld [smem:$0x3FDB];
	s0 =	simm.s32 @p2 $0x1  }
0x17: {  	s4 =	simm.s32 $0x1BF5;
	[smem:$0x3FB8] =	sst s0  }
0x18: {  	s0 =	sld [smem:$0x3F9B];
	_ =	swait.ge [sflag:s4], $0x0  }
0x19: {  	s7 =	sld [smem:$0x3F9C]  }
0x1a: {  	s8 =	sadd.s32 $0xFFFFE003, lr  }
0x1b: {  	s9 =	sadd.s32 $0xFFFFFEF7, lr;
	s5 =	simm.s32 $0xFFFFFFFF;
	p2 =	slt.u32 s8, $0xFFFFF086  }
0x1c: {  	p1 =	slt.u32 s9, $0xF7A;
	s5 =	simm.s32 @!p2 $0x0  }
0x1d: {  	s5 =	simm.s32 @p1 $0x1;
	p0 =	seq.s32 s7, s2  }
0x1e: {  	s7 =	smul.u32 @!p0 $0xF7A, s2;
	p2 =	seq.s32 @!p0 s5, $0x0  }
0x1f: {  	s9 =	smul.u32 $0xF7A, s1;
	s8 =	simm.s32 @!p0 $0x1BF5;
	p2 =	por !p2, p0  }
0x20: {  	[sflag:s8] =	ssyncset.s32 @!p0 $0xFFFFF086;
	s6 =	sadd.s32 @!p0 s3, s7;
	s7 =	simm.s32 @!p0 $0x108  }
0x21: {  	s3 =	sadd.s32 s3, s9;
	s6 =	sadd.s32 @!p0 $0x88, s6;
	s7 =	simm.s32 @p2 $0x1082  }
0x22: {  	[simem:s7], [sflag:s8] =	dma.local @!p0 [hbm:s6], $0xF7A  }
0x23: {  	s9 =	sor.u32 $0xD0000000, s2;
	s6 =	simm.s32 $0x108;
	_ =	swait.ge @!p0 [sflag:s8], $0x0  }
0x24: {  	s3 =	sadd.s32 $0x88, s3;
	s6 =	simm.s32 @!p1 $0x1082;
	[sflag:s4] =	ssyncset.s32 $0xFFFFF086  }
0x25: {  	[simem:s6], [sflag:s4] =	dma.local [hbm:s3], $0xF7A  }
0x26: {  	[smem:$0x3F9C] =	sst s1;
	(tag) =	ssettag s2;
	_ =	strace s9  }
0x27: {  	s1 =	sld [smem:$0x3FAC]  }
0x28: {  	s2 =	sld [smem:$0x3FAD]  }
0x29: {  	s4 =	sld [smem:$0x3FAF]  }
0x2a: {  	p0 =	seq.s32 s5, $0x0;
	s5 =	sld [smem:$0x3FB0]  }
0x2b: {  	s6 =	sld [smem:$0x3FB1]  }
0x2c: {  	s7 =	sld [smem:$0x3FB2]  }
0x2d: {  	s3 =	simm.s32 $0x108;
	s8 =	sld [smem:$0x3FB3]  }
0x2e: {  	s3 =	simm.s32 @!p0 $0x1082;
	s9 =	sld [smem:$0x3FB4]  }
0x2f: {  	lr =	sadd.s32 s0, s3;
	s0 =	sld [smem:$0x3FAB]  }
0x30: {  	s3 =	sld [smem:$0x3FAE]  }
0x31: {  	[smem:$0x3FB7] =	sst s10  }
0x32: {  	s10 =	sld [smem:$0x3FB5];
	_ =	sdelay $0x3  }
0x33: {  	p0 =	seq.s32 s10, $0x1;
	s10 =	sld [smem:$0x3FB7];
	_ =	sdelay $0x3  }
0x34: {  	[smem:$0x3FB7] =	sst s10  }
0x35: {  	s10 =	sld [smem:$0x3FB6];
	_ =	sdelay $0x3  }
0x36: {  	p1 =	seq.s32 s10, $0x1;
	s10 =	sld [smem:$0x3FB7];
	_ =	sdelay $0x3  }
0x37: {  	[smem:$0x3FB7] =	sst s10  }
0x38: {  	s10 =	sld [smem:$0x3FB8]  }
0x39: {  	_ = 	snop;
	(pc) =	sbr.ind lr, $3  }
0x3a: {  	_ = 	snop  }
0x3b: {  	_ = 	snop  }
0x3c: {  	p2 =	seq.s32 s10, $0x1;
	s10 =	sld [smem:$0x3FB7]  }
0x3d: {  	_ =	shalt  }
0x3e: {  	_ =	shalt  }
0x3f: {  	_ =	shalt  }
0x40: {  	_ =	shalt  }
0x41: {  	_ =	shalt  }
0x42: {  	_ =	shalt  }
0x43: {  	_ =	shalt  }
0x44: {  	_ =	shalt  }
0x45: {  	_ =	shalt  }
0x46: {  	_ =	shalt  }
0x47: {  	_ =	shalt  }
0x48: {  	_ =	shalt  }
0x49: {  	_ =	shalt  }
0x4a: {  	_ =	shalt  }
0x4b: {  	_ =	shalt  }
0x4c: {  	_ =	shalt  }
0x4d: {  	_ =	shalt  }
0x4e: {  	_ =	shalt  }
0x4f: {  	_ =	shalt  }
0x50: {  	_ =	shalt  }
0x51: {  	_ =	shalt  }
0x52: {  	_ =	shalt  }
0x53: {  	_ =	shalt  }
0x54: {  	_ =	shalt  }
0x55: {  	_ =	shalt  }
0x56: {  	_ =	shalt  }
0x57: {  	_ =	shalt  }
0x58: {  	_ =	shalt  }
0x59: {  	_ =	shalt  }
0x5a: {  	_ =	shalt  }
0x5b: {  	_ =	shalt  }
0x5c: {  	_ =	shalt  }
0x5d: {  	_ =	shalt  }
0x5e: {  	_ =	shalt  }
0x5f: {  	_ =	shalt  }
0x60: {  	_ =	shalt  }
0x61: {  	_ =	shalt  }
0x62: {  	_ =	shalt  }
0x63: {  	_ =	shalt  }
0x64: {  	_ =	shalt  }
0x65: {  	_ =	shalt  }
0x66: {  	_ =	shalt  }
0x67: {  	_ =	shalt  }
0x68: {  	_ =	shalt  }
0x69: {  	_ =	shalt  }
0x6a: {  	_ =	shalt  }
0x6b: {  	_ =	shalt  }
0x6c: {  	_ =	shalt  }
0x6d: {  	_ =	shalt  }
0x6e: {  	_ =	shalt  }
0x6f: {  	_ =	shalt  }
0x70: {  	_ =	shalt  }
0x71: {  	_ =	shalt  }
0x72: {  	_ =	shalt  }
0x73: {  	_ =	shalt  }
0x74: {  	_ =	shalt  }
0x75: {  	_ =	shalt  }
0x76: {  	_ =	shalt  }
0x77: {  	_ =	shalt  }
0x78: {  	_ =	shalt  }
0x79: {  	_ =	shalt  }
0x7a: {  	_ =	shalt  }
0x7b: {  	_ =	shalt  }
0x7c: {  	_ =	shalt  }
0x7d: {  	_ =	shalt  }
0x7e: {  	_ =	shalt  }
0x7f: {  	_ =	shalt  }
0x80: {  	_ =	shalt  }
0x81: {  	_ =	shalt  }
0x82: {  	_ =	shalt  }
0x83: {  	_ =	shalt  }
0x84: {  	_ =	shalt  }
0x85: {  	_ =	shalt  }
0x86: {  	_ =	shalt  }
0x87: {  	_ =	shalt  }
.Lfunc_end0:
.L_simem_size_0:
called_computation_lowered:
.L_overlay_start_0:
0x88: {  	s2 =	sld [smem:$0x3FD9]  }
0x89: {  	s3 =	sld [smem:$0x3FFE];
	_ =	sdelay $0x1  }
0x8a: {  	s1 =	srdreg.scid  }
0x8b: {  	s0 =	sand.u32 $0x1, s1  }
0x8c: {  	s18 =	sshll.u32 s0, $0xA;
	s2 =	sadd.s32 s3, s2  }
0x8d: {  	s2 =	sadd.s32 s2, s18  }
0x8e: {  	[smem:$0x3FC3] =	sst s2  }
0x8f: {  	_ = 	snop  }
0x90: {  	s2 =	sld [smem:$0x3FC9]  }
0x91: {  	s19 =	sld [smem:$0x3FC7]  }
0x92: {  	s4 =	sld [smem:$0x3FD0];
	(tm) =	ssettm $0x1  }
0x93: {  	s5 =	sld [smem:$0x3FFB];
	_ =	sdelay $0x3  }
0x94: {  	_ =	strace s5  }
0x95: {  	s5 =	sld [smem:$0x3FFC];
	_ =	sdelay $0x3  }
0x96: {  	_ =	strace s5  }
0x97: {  	s5 =	sld [smem:$0x3FFD];
	_ =	sdelay $0x3  }
0x98: {  	_ =	strace s5  }
0x99: {  	_ =	strace $0x8FFFFFFF  }
0x9a: {  	s20 =	sld [smem:$0x3FDB];
	_ =	sdelay $0x1  }
0x9b: {  	s6 =	simm.s32 $_scs_section_size  }
0x9c: {  	s7 =	simm.s32 $_size__tile_overlayer_lowered;
	s8 =	simm.s32 $_tile_overlayer_lowered  }
0x9d: {  	s23 =	simm.s32 $0x1BFF;
	s22 =	sshll.u32 s8, $0x1;
	s5 =	sadd.s32 s6, s20  }
0x9e: {  	s9 =	simm.s32 $0x0;
	s21 =	sshll.u32 s7, $0x1;
	s7 =	sadd.s32 s22, s5  }
0x9f: {  	[timem:s9], [sflag:s23] =	dma.local [hbm:s7], s21  }
0xa0: {  	_ =	swait.ge [sflag:s23], s21  }
0xa1: {  	s6 =	ssub.s32 $0x0, s21;
	[sflag:s23] =	ssyncset.done $0x0  }
0xa2: {  	[sflag:s23] =	ssyncadd.s32 s6;
	_ =	sdelay $0x1  }
0xa3: {  	s24 =	simm.s32 $0x1B8B  }
0xa4: {  	_ =	swait.ge [sflag:s24], $0x1  }
0xa5: {  	[sflag:s24] =	ssyncset.done $0x0  }
0xa6: {  	s25 =	simm.s32 $0x1B8E;
	[sflag:s24] =	ssyncadd.s32 $0xFFFFFFFF  }
0xa7: {  	s26 =	simm.s32 $execute0_lowered;
	[smem:$0x3FD2] =	sst s25  }
0xa8: {  	s6 =	sshll.u32 s26, $0x1;
	_ =	strace $0x80000046;
	[dreg:$0x1] =	wrdreg $0xFFFFFFFF  }
0xa9: {  	s28 =	simm.s32 $_size_execute0_lowered;
	s5 =	sadd.s32 s5, s6;
	[dreg:$0x0] =	wrdreg $0x0  }
0xaa: {  	s6 =	sshll.u32 s28, $0x1;
	[dreg:$0x2] =	wrdreg s5  }
0xab: {  	[dreg:$0x3] =	wrdreg s6  }
0xac: {  	[dreg:$0x4] =	wrdreg $0xC0  }
0xad: {  	_ =	task [dreg:s9], $0x5FFFF  }
0xae: {  	[dreg:$0x1] =	wrdreg $0xFFFFFFFF  }
0xaf: {  	[dreg:$0x0] =	wrdreg $0x60  }
0xb0: {  	[dreg:$0x2] =	wrdreg s2  }
0xb1: {  	[dreg:$0x3] =	wrdreg s19  }
0xb2: {  	[dreg:$0x4] =	wrdreg s4  }
0xb3: {  	[dreg:$0x5] =	wrdreg $0x9  }
0xb4: {  	_ =	task.clear_ibuf [dreg:s9], $0x6FFFF;
	_ =	strace $0x90000046  }
0xb5: {  	s29 =	simm.s32 $0x9;
	_ =	strace $0x80000048  }
0xb6: {  	_ =	swait.ge [sflag:s29], $0x1  }
0xb7: {  	[sflag:s29] =	ssyncadd.s32 $0xFFFFFFFF  }
0xb8: {  	_ =	strace $0x90000048  }
0xb9: {  	_ =	sfence  }
0xba: {  	s30 =	sld [smem:$0x0];
	_ =	sdelay $0x2  }
0xbb: {  	s31 =	sshll.u32 s1, $0xD;
	s1 =	sshrl.u32 s1, $0x2  }
0xbc: {  	s3 =	sand.u32 $0x4000, s31;
	s1 =	sadd.s32 s1, s30  }
0xbd: {  	s0 =	sor.u32 s3, s0;
	s1 =	sshll.u32 s1, $0x11  }
0xbe: {  	s0 =	sor.u32 s1, s0  }
0xbf: {  	s0 =	sadd.s32 $0x8F2B, s0  }
0xc0: {  	[sflag:s0] =	ssyncadd.remote.s32 $0x1  }
0xc1: {  	_ =	sfence.sel $0xFFFF  }
0xc2: {  	[dreg:$0x0] =	wrdreg $0xFFFFFFFF;
	(pc) =	sbr.abs _section_cstart, $3  }
0xc3: {  	[dreg:$0x1] =	wrdreg $0xFFFFFFFF  }
0xc4: {  	_ =	task.clear_ibuf [dreg:s9], $0x2FFFF;
	_ =	strace $0x9FFFFFFF  }
0xc5: {  	(tm) =	ssettm $0x7FFFFFFF  }
tec
execute0_lowered:
.L_overlay_start_1:
0x0: {  	(tag) =	ssettag $0x1  }
0x1: {  	s0 =	srdreg.scid  }
0x2: {  	s7 =	sand.u32 $0x1, s0;
	s0 =	stileid.u32  }
0x3: {  	s5 =	sshll.u32 s0, $0x1;
	s6 =	ssub.s32 $0x0, s7  }
0x4: {  	p0 =	sne.s32 s5, s6  }
.Ltmp0:
0x5: {  	_ = 	snop;
	(pc) =	sbr.rel @p0 .LBB2_4-.Ltmp0, $4  }
0x6: {  	s2 =	rddreg [dreg:$0x0]  }
0x7: {  	s3 =	rddreg [dreg:$0x1]  }
0x8: {  	s4 =	rddreg [dreg:$0x2]  }
0x9: {  	s1 =	rddreg [dreg:$0x3];
	_ =	strace $0x80000047  }
0xa: {  	s6 =	simm.s32 $0x0;
	s5 =	simm.s32 $0x2;
	s10 =	ssub.s32 $0x2, s7  }
0xb: {  	[tilespmem:s6], [sflag:$0x2] =	stream.linear.gather [hbm4b:s2+s6], $0x80, $0x38;
	[tilespmem:$0x1080] =	vst v63  }
0xc: {  	s7 =	simm.s32 $0x20;
	s11 =	sshrl.u32 s10, $0x1;
	_ =	swait.ge [sflag:s5], $0x80  }
0xd: {  	s8 =	simm.s32 $0x80;
	s10 =	ssub.s32 s10, s11;
	[sflag:s5] =	ssyncset.done $0x0  }
0xe: {  	s9 =	simm.s32 $0x1;
	s10 =	smax.u32 s10, $0x1;
	[sflag:s5] =	ssyncadd.s32 $0xFFFFFF80  }
0xf: {  	[tilespmem:s8], [sflag:$0x1] =	stream.indirect.gather [hbm4b:s3+s7], $0x80, s6, s7, $0xb8;
	[tilespmem:$0x1080] =	vst v63  }
0x10: {  	p0 =	sne.s32 s10, $0x1;
	_ =	swait.ge [sflag:s9], $0x1000  }
.Ltmp1:
0x11: {  	[sflag:s9] =	ssyncset.done $0x0;
	(pc) =	sbr.rel @!p0 .LBB2_3-.Ltmp1, $4  }
0x12: {  	[sflag:s9] =	ssyncadd.s32 $0xFFFFF000  }
0x13: {  	[hbm4b:s4+s6] =	stream.linear.scatter [tilespmem:s8], [sflag:$0x2], $0x1000, $0x38;
	[tilespmem:$0x1080] =	vst v63  }
0x14: {  	_ =	swait.ge [sflag:s5], $0x1000  }
0x15: {  	s10 =	sadd.s32 $0xFFFFFFFF, s10;
	[sflag:s5] =	ssyncset.done $0x0  }
.LBB2_2:
0x16: {  	p0 =	sne.s32 s10, $0x1;
	s10 =	sadd.s32 $0xFFFFFFFF, s10;
	[sflag:s5] =	ssyncadd.s32 $0xFFFFF000  }
0x17: {  	[tilespmem:s6], [sflag:$0x2] =	stream.linear.gather [hbm4b:s2+s6], $0x80, $0x38;
	[tilespmem:$0x1080] =	vst v63  }
0x18: {  	_ =	swait.ge [sflag:s5], $0x80  }
0x19: {  	[sflag:s5] =	ssyncset.done $0x0  }
0x1a: {  	[sflag:s5] =	ssyncadd.s32 $0xFFFFFF80  }
0x1b: {  	[tilespmem:s8], [sflag:$0x1] =	stream.indirect.gather [hbm4b:s3+s7], $0x80, s6, s7, $0xb8;
	[tilespmem:$0x1080] =	vst v63  }
0x1c: {  	_ =	swait.ge [sflag:s9], $0x1000  }
.Ltmp2:
0x1d: {  	[sflag:s9] =	ssyncset.done $0x0;
	(pc) =	sbr.rel @p0 .LBB2_2-.Ltmp2, $4  }
0x1e: {  	[sflag:s9] =	ssyncadd.s32 $0xFFFFF000  }
0x1f: {  	[hbm4b:s4+s6] =	stream.linear.scatter [tilespmem:s8], [sflag:$0x2], $0x1000, $0x38;
	[tilespmem:$0x1080] =	vst v63  }
0x20: {  	_ =	swait.ge [sflag:s5], $0x1000  }
0x21: {  	[sflag:s5] =	ssyncset.done $0x0  }
.LBB2_3:
0x22: {  	[sflag:s5] =	ssyncadd.s32 $0xFFFFF000  }
.LBB2_4:
0x23: {  	_ =	sfence.sel $0x180000  }
0x24: {  	[bflag:$0x0] =	sbarrier.arrive $0xFFFF  }
0x25: {  	p0 =	sne.s32 s0, $0x0;
	_ =	strace $0x90000047  }
0x26: {  	s0 =	sadd.s32 @!p0 $0x100000, s1;
	[bflag:$0x2] =	sbarrier.arrive $0xFFFF  }
0x27: {  	[sflag:s0] =	ssyncadd.tile.s32 @!p0 $0x1;
	_ =	shalt  }
.Lfunc_end2:
_tile_overlayer_lowered:
.L_overlay_start_2:
0x28: {  	(tag) =	ssettag $0x2  }
0x29: {  	s0 =	rddreg [dreg:$0x0];
	s2 =	stileid.u32  }
0x2a: {  	s1 =	rddreg [dreg:$0x1];
	p0 =	sne.s32 s2, $0x0  }
0x2b: {  	s3 =	rddreg [dreg:$0x2];
	[bflag:$0x3] =	sbarrier.arrive $0xFFFF;
	s2 =	simm.s32 @!p0 $0x1C02  }
0x2c: {  	[timem:s3], [sflag:s2] =	dma.local @!p0 [hbm:s0], s1  }
0x2d: {  	s0 =	simm.s32 @!p0 $0x2  }
0x2e: {  	_ =	swait.ge @!p0 [sflag:s0], s1  }
0x2f: {  	s1 =	ssub.s32 @!p0 $0x0, s1;
	[sflag:s0] =	ssyncset.done @!p0 $0x0  }
0x30: {  	[sflag:s0] =	ssyncadd.s32 @!p0 s1  }
0x31: {  	[bflag:$0x3] =	sbarrier.arrive $0xFFFF  }
0x32: {  	_ =	shalt  }

</sc_bundles>
